<compile_context>
chip_gen: v7x
topology: tpu7x:2x2x1
jax: 0.10.2.dev20260603
libtpu: 0.0.44.dev20260713+nightly
codegen_flags: <defaults>
</compile_context>

<pallas_src>
import numpy as np
import jax
import jax.numpy as jnp
from jax import lax
from jax.experimental import pallas as pl
from jax.experimental.pallas import tpu as pltpu
from jax.experimental.pallas import tpu_sc as plsc

DIM = 128

_P2 = (1.0, -0.6931470632553101, 0.24022436141967773, -0.05549103766679764,
       0.009580060094594955, -0.0012757170759141445, 0.00010938758234521374)
_LOG2E = 1.4426950408889634
_POW2 = np.ldexp(np.float32(1.0), -np.arange(128)).astype(np.float32)


def _skipgram_scs(emb_hbm, iw_hbm, ow_hbm, sign_hbm, pow2_hbm, out_hbm,
                  iw_s, ow_s, sign_s, pow2_s, row0_s, row1_s, out_s,
                  sem0, sem1, sem2, sem3):
    c0 = pltpu.make_async_copy(iw_hbm, iw_s, sem0)
    c1 = pltpu.make_async_copy(ow_hbm, ow_s, sem1)
    c2 = pltpu.make_async_copy(sign_hbm, sign_s, sem2)
    c3 = pltpu.make_async_copy(pow2_hbm, pow2_s, sem3)
    c0.start()
    c1.start()
    c2.start()
    c3.start()
    c0.wait()
    g0 = pltpu.make_async_copy(emb_hbm.at[pl.ds(iw_s[0], 1)], row0_s, sem0)
    g0.start()
    c1.wait()
    g1 = pltpu.make_async_copy(emb_hbm.at[pl.ds(ow_s[0], 1)], row1_s, sem1)
    g1.start()
    g0.wait()
    g1.wait()
    def dot_body(i, accs):
        base = i * 8
        return tuple(
            accs[a] + row0_s[0, base + 2 * a] * row1_s[0, base + 2 * a]
            + row0_s[0, base + 2 * a + 1] * row1_s[0, base + 2 * a + 1]
            for a in range(4)
        )
    accs = lax.fori_loop(
        0, DIM // 8, dot_body,
        (jnp.float32(0.0), jnp.float32(0.0), jnp.float32(0.0), jnp.float32(0.0)))
    acc = (accs[0] + accs[1]) + (accs[2] + accs[3])
    c2.wait()
    c3.wait()
    x = acc * sign_s[0]
    z = jnp.minimum(jnp.maximum(x, -x), jnp.float32(80.0))
    y = z * jnp.float32(_LOG2E)
    n = jnp.minimum(y.astype(jnp.int32), jnp.int32(120))
    f = y - n.astype(jnp.float32)
    p2 = jnp.float32(_P2[6])
    for k in (5, 4, 3, 2, 1, 0):
        p2 = p2 * f + jnp.float32(_P2[k])
    u = p2 * pow2_s[n]
    d = u + jnp.float32(2.0)
    r = jnp.float32(12.0 / 17.0) - jnp.float32(2.0 / 17.0) * d
    for _ in range(3):
        r = r * (jnp.float32(2.0) - d * r)
    t = u * r
    t2 = t * t
    log1p_u = jnp.float32(2.0) * t * (
        jnp.float32(1.0) + t2 * (jnp.float32(1.0 / 3.0) + t2 * (
            jnp.float32(1.0 / 5.0) + t2 * (jnp.float32(1.0 / 7.0)
                                           + t2 * jnp.float32(1.0 / 9.0)))))
    out_s[0] = jnp.minimum(x, jnp.float32(0.0)) - log1p_u
    pltpu.sync_copy(out_s, out_hbm)


def kernel(input_word, output_word, sign, emb):
    out = pl.kernel(
        _skipgram_scs,
        out_type=jax.ShapeDtypeStruct((1,), jnp.float32),
        mesh=plsc.ScalarSubcoreMesh(axis_name="c", num_cores=1),
        compiler_params=pltpu.CompilerParams(needs_layout_passes=False),
        scratch_types=[
            pltpu.SMEM((1,), jnp.int32),
            pltpu.SMEM((1,), jnp.int32),
            pltpu.SMEM((1,), jnp.float32),
            pltpu.SMEM((128,), jnp.float32),
            pltpu.SMEM((1, DIM), jnp.float32),
            pltpu.SMEM((1, DIM), jnp.float32),
            pltpu.SMEM((1,), jnp.float32),
            pltpu.SemaphoreType.DMA,
            pltpu.SemaphoreType.DMA,
            pltpu.SemaphoreType.DMA,
            pltpu.SemaphoreType.DMA,
        ],
    )(emb, input_word.astype(jnp.int32), output_word.astype(jnp.int32),
      sign.reshape(1), jnp.asarray(_POW2))
    return out.reshape(())

# --- scband reference (transcript-rebuilt; emitter-appended) ---
"""Pipeline reference for scband-skip-gram-62105227100302 (READ-ONLY COPY).

The authoritative reference and input builder live on the scoring server;
editing this copy changes nothing except your own understanding.
"""

import jax, jax.numpy as jnp
import numpy as np

VOCAB = 100000
DIM = 128

def setup_inputs(seed: int = 0) -> dict:
    key = jax.random.key(seed)
    k1, k2, k3 = jax.random.split(key, 3)
    input_word = jax.random.randint(k1, (1,), 0, VOCAB, dtype=jnp.int64) if jax.config.jax_enable_x64 else jax.random.randint(k1, (1,), 0, VOCAB).astype(jnp.int32)
    output_word = jax.random.randint(k2, (1,), 0, VOCAB).astype(input_word.dtype)
    sign = jnp.ones((), dtype=jnp.float32)
    emb = jax.random.normal(k3, (VOCAB, DIM), dtype=jnp.float32)
    return {"input_word": input_word, "output_word": output_word, "sign": sign, "emb": emb}

def reference(input_word, output_word, sign, emb):
    # input_embedding = self.embeddings(input_word).squeeze(0)
    input_embedding = jnp.take(emb, input_word, axis=0).squeeze(0)
    # output_embedding = self.embeddings(output_word).squeeze(0)
    output_embedding = jnp.take(emb, output_word, axis=0).squeeze(0)
    # score = LogSigmoid(sign * dot(input_embedding, output_embedding))
    score = jax.nn.log_sigmoid(sign * jnp.dot(input_embedding, output_embedding))
    return score

if __name__ == "__main__":
    import jax
    _d = setup_inputs()
    print(jax.jit(kernel)(*tuple(_d.values())))

</pallas_src>

<mosaic_0001>
#map = affine_map<(d0) -> (0, 0)>
#map1 = affine_map<(d0) -> (0)>
module attributes {stable_mosaic.version = 14 : i64} {
  func.func @_skipgram_scs(%arg0: i32, %arg1: memref<100000x128xf32, #tpu.memory_space<hbm>>, %arg2: memref<1xi32, #tpu.memory_space<hbm>>, %arg3: memref<1xi32, #tpu.memory_space<hbm>>, %arg4: memref<1xf32, #tpu.memory_space<hbm>>, %arg5: memref<128xf32, #tpu.memory_space<hbm>>, %arg6: memref<1xf32, #tpu.memory_space<hbm>>, %arg7: memref<1xi32, #tpu.memory_space<smem>>, %arg8: memref<1xi32, #tpu.memory_space<smem>>, %arg9: memref<1xf32, #tpu.memory_space<smem>>, %arg10: memref<128xf32, #tpu.memory_space<smem>>, %arg11: memref<1x128xf32, #tpu.memory_space<smem>>, %arg12: memref<1x128xf32, #tpu.memory_space<smem>>, %arg13: memref<1xf32, #tpu.memory_space<smem>>, %arg14: memref<!tpu.dma_semaphore, #tpu.memory_space<semaphore_mem>>, %arg15: memref<!tpu.dma_semaphore, #tpu.memory_space<semaphore_mem>>, %arg16: memref<!tpu.dma_semaphore, #tpu.memory_space<semaphore_mem>>, %arg17: memref<!tpu.dma_semaphore, #tpu.memory_space<semaphore_mem>>) attributes {dimension_semantics = [#tpu.dimension_semantics<core_parallel>], iteration_bounds = array<i64: 1>, scalar_prefetch = 0 : i64, scratch_operands = 11 : i64, tpu.core_type = #tpu.core_type<sc_scalar_subcore>, window_params = [{transform_indices = #map}, {transform_indices = #map1}, {transform_indices = #map1}, {transform_indices = #map1}, {transform_indices = #map1}, {transform_indices = #map1}]} {
    tpu.enqueue_dma source(%arg2 : memref<1xi32, #tpu.memory_space<hbm>>) target(%arg7 : memref<1xi32, #tpu.memory_space<smem>>) target_semaphore(%arg14 : memref<!tpu.dma_semaphore, #tpu.memory_space<semaphore_mem>>)
    tpu.enqueue_dma source(%arg3 : memref<1xi32, #tpu.memory_space<hbm>>) target(%arg8 : memref<1xi32, #tpu.memory_space<smem>>) target_semaphore(%arg15 : memref<!tpu.dma_semaphore, #tpu.memory_space<semaphore_mem>>)
    tpu.enqueue_dma source(%arg4 : memref<1xf32, #tpu.memory_space<hbm>>) target(%arg9 : memref<1xf32, #tpu.memory_space<smem>>) target_semaphore(%arg16 : memref<!tpu.dma_semaphore, #tpu.memory_space<semaphore_mem>>)
    tpu.enqueue_dma source(%arg5 : memref<128xf32, #tpu.memory_space<hbm>>) target(%arg10 : memref<128xf32, #tpu.memory_space<smem>>) target_semaphore(%arg17 : memref<!tpu.dma_semaphore, #tpu.memory_space<semaphore_mem>>)
    tpu.wait_dma2 semaphore(%arg14 : memref<!tpu.dma_semaphore, #tpu.memory_space<semaphore_mem>>) src(%arg2 : memref<1xi32, #tpu.memory_space<hbm>>) dst(%arg7 : memref<1xi32, #tpu.memory_space<smem>>)
    %get3A = arith.constant 0 : i32
    %get3A_0 = arith.index_cast %get3A : i32 to index
    %get3A_1 = memref.load %arg7[%get3A_0] : memref<1xi32, #tpu.memory_space<smem>>
    %dma_start3A = arith.constant 0 : i32
    %dma_start3A_2 = tpu.memref_slice %arg1[%get3A_1, %dma_start3A] : memref<100000x128xf32, #tpu.memory_space<hbm>> -> memref<1x128xf32, #tpu.memory_space<hbm>>
    tpu.enqueue_dma source(%dma_start3A_2 : memref<1x128xf32, #tpu.memory_space<hbm>>) target(%arg11 : memref<1x128xf32, #tpu.memory_space<smem>>) target_semaphore(%arg14 : memref<!tpu.dma_semaphore, #tpu.memory_space<semaphore_mem>>)
    tpu.wait_dma2 semaphore(%arg15 : memref<!tpu.dma_semaphore, #tpu.memory_space<semaphore_mem>>) src(%arg3 : memref<1xi32, #tpu.memory_space<hbm>>) dst(%arg8 : memref<1xi32, #tpu.memory_space<smem>>)
    %get3A_3 = arith.constant 0 : i32
    %get3A_4 = arith.index_cast %get3A_3 : i32 to index
    %get3A_5 = memref.load %arg8[%get3A_4] : memref<1xi32, #tpu.memory_space<smem>>
    %dma_start3A_6 = arith.constant 0 : i32
    %dma_start3A_7 = tpu.memref_slice %arg1[%get3A_5, %dma_start3A_6] : memref<100000x128xf32, #tpu.memory_space<hbm>> -> memref<1x128xf32, #tpu.memory_space<hbm>>
    tpu.enqueue_dma source(%dma_start3A_7 : memref<1x128xf32, #tpu.memory_space<hbm>>) target(%arg12 : memref<1x128xf32, #tpu.memory_space<smem>>) target_semaphore(%arg15 : memref<!tpu.dma_semaphore, #tpu.memory_space<semaphore_mem>>)
    %dma_wait3A = arith.constant 0 : i32
    %dma_wait3A_8 = tpu.memref_slice %arg1[%get3A_1, %dma_wait3A] : memref<100000x128xf32, #tpu.memory_space<hbm>> -> memref<1x128xf32, #tpu.memory_space<hbm>>
    tpu.wait_dma2 semaphore(%arg14 : memref<!tpu.dma_semaphore, #tpu.memory_space<semaphore_mem>>) src(%dma_wait3A_8 : memref<1x128xf32, #tpu.memory_space<hbm>>) dst(%arg11 : memref<1x128xf32, #tpu.memory_space<smem>>)
    %dma_wait3A_9 = arith.constant 0 : i32
    %dma_wait3A_10 = tpu.memref_slice %arg1[%get3A_5, %dma_wait3A_9] : memref<100000x128xf32, #tpu.memory_space<hbm>> -> memref<1x128xf32, #tpu.memory_space<hbm>>
    tpu.wait_dma2 semaphore(%arg15 : memref<!tpu.dma_semaphore, #tpu.memory_space<semaphore_mem>>) src(%dma_wait3A_10 : memref<1x128xf32, #tpu.memory_space<hbm>>) dst(%arg12 : memref<1x128xf32, #tpu.memory_space<smem>>)
    %scan3A = arith.constant 0.000000e+00 : f32
    %scan3A_11 = arith.constant 0.000000e+00 : f32
    %scan3A_12 = arith.constant 0.000000e+00 : f32
    %scan3A_13 = arith.constant 0.000000e+00 : f32
    %scan3A_14 = arith.constant 0 : i32
    %scan3A_15 = arith.constant 16 : i32
    %scan3A_16 = arith.addi %scan3A_14, %scan3A_15 : i32
    %scan3A_17 = arith.constant 1 : i32
    %scan3A_18:4 = scf.for %scan3A_95 = %scan3A_14 to %scan3A_16 step %scan3A_17 iter_args(%scan3A_96 = %scan3A, %scan3A_97 = %scan3A_11, %scan3A_98 = %scan3A_12, %scan3A_99 = %scan3A_13) -> (f32, f32, f32, f32)  : i32 {
      %mul3A_100 = arith.constant 8 : i32
      %mul3A_101 = arith.muli %scan3A_95, %mul3A_100 : i32
      %add3A_102 = arith.constant 0 : i32
      %add3A_103 = arith.addi %mul3A_101, %add3A_102 : i32
      %get3A_104 = arith.constant 0 : i32
      %get3A_105 = arith.index_cast %get3A_104 : i32 to index
      %get3A_106 = arith.index_cast %add3A_103 : i32 to index
      %get3A_107 = memref.load %arg11[%get3A_105, %get3A_106] : memref<1x128xf32, #tpu.memory_space<smem>>
      %add3A_108 = arith.constant 0 : i32
      %add3A_109 = arith.addi %mul3A_101, %add3A_108 : i32
      %get3A_110 = arith.constant 0 : i32
      %get3A_111 = arith.index_cast %get3A_110 : i32 to index
      %get3A_112 = arith.index_cast %add3A_109 : i32 to index
      %get3A_113 = memref.load %arg12[%get3A_111, %get3A_112] : memref<1x128xf32, #tpu.memory_space<smem>>
      %mul3A_114 = arith.mulf %get3A_107, %get3A_113 : f32
      %add3A_115 = arith.addf %scan3A_96, %mul3A_114 : f32
      %add3A_116 = arith.constant 0 : i32
      %add3A_117 = arith.addi %mul3A_101, %add3A_116 : i32
      %add3A_118 = arith.constant 1 : i32
      %add3A_119 = arith.addi %add3A_117, %add3A_118 : i32
      %get3A_120 = arith.constant 0 : i32
      %get3A_121 = arith.index_cast %get3A_120 : i32 to index
      %get3A_122 = arith.index_cast %add3A_119 : i32 to index
      %get3A_123 = memref.load %arg11[%get3A_121, %get3A_122] : memref<1x128xf32, #tpu.memory_space<smem>>
      %add3A_124 = arith.constant 0 : i32
      %add3A_125 = arith.addi %mul3A_101, %add3A_124 : i32
      %add3A_126 = arith.constant 1 : i32
      %add3A_127 = arith.addi %add3A_125, %add3A_126 : i32
      %get3A_128 = arith.constant 0 : i32
      %get3A_129 = arith.index_cast %get3A_128 : i32 to index
      %get3A_130 = arith.index_cast %add3A_127 : i32 to index
      %get3A_131 = memref.load %arg12[%get3A_129, %get3A_130] : memref<1x128xf32, #tpu.memory_space<smem>>
      %mul3A_132 = arith.mulf %get3A_123, %get3A_131 : f32
      %add3A_133 = arith.addf %add3A_115, %mul3A_132 : f32
      %add3A_134 = arith.constant 2 : i32
      %add3A_135 = arith.addi %mul3A_101, %add3A_134 : i32
      %get3A_136 = arith.constant 0 : i32
      %get3A_137 = arith.index_cast %get3A_136 : i32 to index
      %get3A_138 = arith.index_cast %add3A_135 : i32 to index
      %get3A_139 = memref.load %arg11[%get3A_137, %get3A_138] : memref<1x128xf32, #tpu.memory_space<smem>>
      %add3A_140 = arith.constant 2 : i32
      %add3A_141 = arith.addi %mul3A_101, %add3A_140 : i32
      %get3A_142 = arith.constant 0 : i32
      %get3A_143 = arith.index_cast %get3A_142 : i32 to index
      %get3A_144 = arith.index_cast %add3A_141 : i32 to index
      %get3A_145 = memref.load %arg12[%get3A_143, %get3A_144] : memref<1x128xf32, #tpu.memory_space<smem>>
      %mul3A_146 = arith.mulf %get3A_139, %get3A_145 : f32
      %add3A_147 = arith.addf %scan3A_97, %mul3A_146 : f32
      %add3A_148 = arith.constant 2 : i32
      %add3A_149 = arith.addi %mul3A_101, %add3A_148 : i32
      %add3A_150 = arith.constant 1 : i32
      %add3A_151 = arith.addi %add3A_149, %add3A_150 : i32
      %get3A_152 = arith.constant 0 : i32
      %get3A_153 = arith.index_cast %get3A_152 : i32 to index
      %get3A_154 = arith.index_cast %add3A_151 : i32 to index
      %get3A_155 = memref.load %arg11[%get3A_153, %get3A_154] : memref<1x128xf32, #tpu.memory_space<smem>>
      %add3A_156 = arith.constant 2 : i32
      %add3A_157 = arith.addi %mul3A_101, %add3A_156 : i32
      %add3A_158 = arith.constant 1 : i32
      %add3A_159 = arith.addi %add3A_157, %add3A_158 : i32
      %get3A_160 = arith.constant 0 : i32
      %get3A_161 = arith.index_cast %get3A_160 : i32 to index
      %get3A_162 = arith.index_cast %add3A_159 : i32 to index
      %get3A_163 = memref.load %arg12[%get3A_161, %get3A_162] : memref<1x128xf32, #tpu.memory_space<smem>>
      %mul3A_164 = arith.mulf %get3A_155, %get3A_163 : f32
      %add3A_165 = arith.addf %add3A_147, %mul3A_164 : f32
      %add3A_166 = arith.constant 4 : i32
      %add3A_167 = arith.addi %mul3A_101, %add3A_166 : i32
      %get3A_168 = arith.constant 0 : i32
      %get3A_169 = arith.index_cast %get3A_168 : i32 to index
      %get3A_170 = arith.index_cast %add3A_167 : i32 to index
      %get3A_171 = memref.load %arg11[%get3A_169, %get3A_170] : memref<1x128xf32, #tpu.memory_space<smem>>
      %add3A_172 = arith.constant 4 : i32
      %add3A_173 = arith.addi %mul3A_101, %add3A_172 : i32
      %get3A_174 = arith.constant 0 : i32
      %get3A_175 = arith.index_cast %get3A_174 : i32 to index
      %get3A_176 = arith.index_cast %add3A_173 : i32 to index
      %get3A_177 = memref.load %arg12[%get3A_175, %get3A_176] : memref<1x128xf32, #tpu.memory_space<smem>>
      %mul3A_178 = arith.mulf %get3A_171, %get3A_177 : f32
      %add3A_179 = arith.addf %scan3A_98, %mul3A_178 : f32
      %add3A_180 = arith.constant 4 : i32
      %add3A_181 = arith.addi %mul3A_101, %add3A_180 : i32
      %add3A_182 = arith.constant 1 : i32
      %add3A_183 = arith.addi %add3A_181, %add3A_182 : i32
      %get3A_184 = arith.constant 0 : i32
      %get3A_185 = arith.index_cast %get3A_184 : i32 to index
      %get3A_186 = arith.index_cast %add3A_183 : i32 to index
      %get3A_187 = memref.load %arg11[%get3A_185, %get3A_186] : memref<1x128xf32, #tpu.memory_space<smem>>
      %add3A_188 = arith.constant 4 : i32
      %add3A_189 = arith.addi %mul3A_101, %add3A_188 : i32
      %add3A_190 = arith.constant 1 : i32
      %add3A_191 = arith.addi %add3A_189, %add3A_190 : i32
      %get3A_192 = arith.constant 0 : i32
      %get3A_193 = arith.index_cast %get3A_192 : i32 to index
      %get3A_194 = arith.index_cast %add3A_191 : i32 to index
      %get3A_195 = memref.load %arg12[%get3A_193, %get3A_194] : memref<1x128xf32, #tpu.memory_space<smem>>
      %mul3A_196 = arith.mulf %get3A_187, %get3A_195 : f32
      %add3A_197 = arith.addf %add3A_179, %mul3A_196 : f32
      %add3A_198 = arith.constant 6 : i32
      %add3A_199 = arith.addi %mul3A_101, %add3A_198 : i32
      %get3A_200 = arith.constant 0 : i32
      %get3A_201 = arith.index_cast %get3A_200 : i32 to index
      %get3A_202 = arith.index_cast %add3A_199 : i32 to index
      %get3A_203 = memref.load %arg11[%get3A_201, %get3A_202] : memref<1x128xf32, #tpu.memory_space<smem>>
      %add3A_204 = arith.constant 6 : i32
      %add3A_205 = arith.addi %mul3A_101, %add3A_204 : i32
      %get3A_206 = arith.constant 0 : i32
      %get3A_207 = arith.index_cast %get3A_206 : i32 to index
      %get3A_208 = arith.index_cast %add3A_205 : i32 to index
      %get3A_209 = memref.load %arg12[%get3A_207, %get3A_208] : memref<1x128xf32, #tpu.memory_space<smem>>
      %mul3A_210 = arith.mulf %get3A_203, %get3A_209 : f32
      %add3A_211 = arith.addf %scan3A_99, %mul3A_210 : f32
      %add3A_212 = arith.constant 6 : i32
      %add3A_213 = arith.addi %mul3A_101, %add3A_212 : i32
      %add3A_214 = arith.constant 1 : i32
      %add3A_215 = arith.addi %add3A_213, %add3A_214 : i32
      %get3A_216 = arith.constant 0 : i32
      %get3A_217 = arith.index_cast %get3A_216 : i32 to index
      %get3A_218 = arith.index_cast %add3A_215 : i32 to index
      %get3A_219 = memref.load %arg11[%get3A_217, %get3A_218] : memref<1x128xf32, #tpu.memory_space<smem>>
      %add3A_220 = arith.constant 6 : i32
      %add3A_221 = arith.addi %mul3A_101, %add3A_220 : i32
      %add3A_222 = arith.constant 1 : i32
      %add3A_223 = arith.addi %add3A_221, %add3A_222 : i32
      %get3A_224 = arith.constant 0 : i32
      %get3A_225 = arith.index_cast %get3A_224 : i32 to index
      %get3A_226 = arith.index_cast %add3A_223 : i32 to index
      %get3A_227 = memref.load %arg12[%get3A_225, %get3A_226] : memref<1x128xf32, #tpu.memory_space<smem>>
      %mul3A_228 = arith.mulf %get3A_219, %get3A_227 : f32
      %add3A_229 = arith.addf %add3A_211, %mul3A_228 : f32
      scf.yield %add3A_133, %add3A_165, %add3A_197, %add3A_229 : f32, f32, f32, f32
    }
    %scan3A_19 = arith.constant 16 : i32
    %add3A = arith.addf %scan3A_18#0, %scan3A_18#1 : f32
    %add3A_20 = arith.addf %scan3A_18#2, %scan3A_18#3 : f32
    %add3A_21 = arith.addf %add3A, %add3A_20 : f32
    tpu.wait_dma2 semaphore(%arg16 : memref<!tpu.dma_semaphore, #tpu.memory_space<semaphore_mem>>) src(%arg4 : memref<1xf32, #tpu.memory_space<hbm>>) dst(%arg9 : memref<1xf32, #tpu.memory_space<smem>>)
    tpu.wait_dma2 semaphore(%arg17 : memref<!tpu.dma_semaphore, #tpu.memory_space<semaphore_mem>>) src(%arg5 : memref<128xf32, #tpu.memory_space<hbm>>) dst(%arg10 : memref<128xf32, #tpu.memory_space<smem>>)
    %get3A_22 = arith.constant 0 : i32
    %get3A_23 = arith.index_cast %get3A_22 : i32 to index
    %get3A_24 = memref.load %arg9[%get3A_23] : memref<1xf32, #tpu.memory_space<smem>>
    %mul3A = arith.mulf %add3A_21, %get3A_24 : f32
    %neg3A = arith.constant 0.000000e+00 : f32
    %neg3A_25 = arith.subf %neg3A, %mul3A : f32
    %max3A = arith.maximumf %mul3A, %neg3A_25 : f32
    %min3A = arith.constant 8.000000e+01 : f32
    %min3A_26 = arith.minimumf %max3A, %min3A : f32
    %mul3A_27 = arith.constant 1.44269502 : f32
    %mul3A_28 = arith.mulf %min3A_26, %mul3A_27 : f32
    %convert_element_type3A = arith.fptosi %mul3A_28 : f32 to i32
    %min3A_29 = arith.constant 120 : i32
    %min3A_30 = arith.minsi %convert_element_type3A, %min3A_29 : i32
    %convert_element_type3A_31 = arith.sitofp %min3A_30 : i32 to f32
    %sub3A = arith.subf %mul3A_28, %convert_element_type3A_31 : f32
    %mul3A_32 = arith.constant 1.09387584E-4 : f32
    %mul3A_33 = arith.mulf %mul3A_32, %sub3A : f32
    %add3A_34 = arith.constant -0.00127571705 : f32
    %add3A_35 = arith.addf %mul3A_33, %add3A_34 : f32
    %mul3A_36 = arith.mulf %add3A_35, %sub3A : f32
    %add3A_37 = arith.constant 9.580060e-03 : f32
    %add3A_38 = arith.addf %mul3A_36, %add3A_37 : f32
    %mul3A_39 = arith.mulf %add3A_38, %sub3A : f32
    %add3A_40 = arith.constant -0.0554910377 : f32
    %add3A_41 = arith.addf %mul3A_39, %add3A_40 : f32
    %mul3A_42 = arith.mulf %add3A_41, %sub3A : f32
    %add3A_43 = arith.constant 0.240224361 : f32
    %add3A_44 = arith.addf %mul3A_42, %add3A_43 : f32
    %mul3A_45 = arith.mulf %add3A_44, %sub3A : f32
    %add3A_46 = arith.constant -0.693147063 : f32
    %add3A_47 = arith.addf %mul3A_45, %add3A_46 : f32
    %mul3A_48 = arith.mulf %add3A_47, %sub3A : f32
    %add3A_49 = arith.constant 1.000000e+00 : f32
    %add3A_50 = arith.addf %mul3A_48, %add3A_49 : f32
    %get3A_51 = arith.index_cast %min3A_30 : i32 to index
    %get3A_52 = memref.load %arg10[%get3A_51] : memref<128xf32, #tpu.memory_space<smem>>
    %mul3A_53 = arith.mulf %add3A_50, %get3A_52 : f32
    %add3A_54 = arith.constant 2.000000e+00 : f32
    %add3A_55 = arith.addf %mul3A_53, %add3A_54 : f32
    %mul3A_56 = arith.constant 0.117647059 : f32
    %mul3A_57 = arith.mulf %mul3A_56, %add3A_55 : f32
    %sub3A_58 = arith.constant 0.70588237 : f32
    %sub3A_59 = arith.subf %sub3A_58, %mul3A_57 : f32
    %mul3A_60 = arith.mulf %add3A_55, %sub3A_59 : f32
    %sub3A_61 = arith.constant 2.000000e+00 : f32
    %sub3A_62 = arith.subf %sub3A_61, %mul3A_60 : f32
    %mul3A_63 = arith.mulf %sub3A_59, %sub3A_62 : f32
    %mul3A_64 = arith.mulf %add3A_55, %mul3A_63 : f32
    %sub3A_65 = arith.constant 2.000000e+00 : f32
    %sub3A_66 = arith.subf %sub3A_65, %mul3A_64 : f32
    %mul3A_67 = arith.mulf %mul3A_63, %sub3A_66 : f32
    %mul3A_68 = arith.mulf %add3A_55, %mul3A_67 : f32
    %sub3A_69 = arith.constant 2.000000e+00 : f32
    %sub3A_70 = arith.subf %sub3A_69, %mul3A_68 : f32
    %mul3A_71 = arith.mulf %mul3A_67, %sub3A_70 : f32
    %mul3A_72 = arith.mulf %mul3A_53, %mul3A_71 : f32
    %mul3A_73 = arith.mulf %mul3A_72, %mul3A_72 : f32
    %mul3A_74 = arith.constant 2.000000e+00 : f32
    %mul3A_75 = arith.mulf %mul3A_74, %mul3A_72 : f32
    %mul3A_76 = arith.constant 0.111111112 : f32
    %mul3A_77 = arith.mulf %mul3A_73, %mul3A_76 : f32
    %add3A_78 = arith.constant 0.142857149 : f32
    %add3A_79 = arith.addf %add3A_78, %mul3A_77 : f32
    %mul3A_80 = arith.mulf %mul3A_73, %add3A_79 : f32
    %add3A_81 = arith.constant 2.000000e-01 : f32
    %add3A_82 = arith.addf %add3A_81, %mul3A_80 : f32
    %mul3A_83 = arith.mulf %mul3A_73, %add3A_82 : f32
    %add3A_84 = arith.constant 0.333333343 : f32
    %add3A_85 = arith.addf %add3A_84, %mul3A_83 : f32
    %mul3A_86 = arith.mulf %mul3A_73, %add3A_85 : f32
    %add3A_87 = arith.constant 1.000000e+00 : f32
    %add3A_88 = arith.addf %add3A_87, %mul3A_86 : f32
    %mul3A_89 = arith.mulf %mul3A_75, %add3A_88 : f32
    %min3A_90 = arith.constant 0.000000e+00 : f32
    %min3A_91 = arith.minimumf %mul3A, %min3A_90 : f32
    %sub3A_92 = arith.subf %min3A_91, %mul3A_89 : f32
    %swap3A = arith.constant 0 : i32
    %swap3A_93 = arith.index_cast %swap3A : i32 to index
    %swap3A_94 = memref.load %arg13[%swap3A_93] : memref<1xf32, #tpu.memory_space<smem>>
    memref.store %sub3A_92, %arg13[%swap3A_93] : memref<1xf32, #tpu.memory_space<smem>>
    "tpu.region"() ({
      %run_scoped3A = tpu.sem_alloc : memref<!tpu.dma_semaphore, #tpu.memory_space<semaphore_mem>>
      tpu.enqueue_dma source(%arg13 : memref<1xf32, #tpu.memory_space<smem>>) target(%arg6 : memref<1xf32, #tpu.memory_space<hbm>>) target_semaphore(%run_scoped3A : memref<!tpu.dma_semaphore, #tpu.memory_space<semaphore_mem>>)
      tpu.wait_dma2 semaphore(%run_scoped3A : memref<!tpu.dma_semaphore, #tpu.memory_space<semaphore_mem>>) src(%arg13 : memref<1xf32, #tpu.memory_space<smem>>) dst(%arg6 : memref<1xf32, #tpu.memory_space<hbm>>)
      tpu.yield
    }) : () -> ()
    return
  }
}

</mosaic_0001>

<sc_bundles>
// kernel: kernel.3.cloned.1.call-start
scs
__scs_entry_jumppad:
0x0: {  	(pc) =	sbr.rel $0x88, $3  }
0x1: {  	(tag) =	ssettag $0x0;
	lr =	simm.s32 $0x1  }
0x2: {  	[smem:$0x3F9D] =	sst lr;
	_ =	strace $0xD0000000  }
0x3: {  	_ = 	snop  }
0x4: {  	_ = 	snop  }
0x5: {  	_ = 	snop  }
0x6: {  	_ = 	snop  }
0x7: {  	_ = 	snop  }
__scs_overlays_trampoline_lowered:
0x8: {  	[smem:$0x3FAC] =	sst s0  }
0x9: {  	[smem:$0x3FAD] =	sst s1  }
0xa: {  	[smem:$0x3FAE] =	sst s2  }
0xb: {  	[smem:$0x3FAF] =	sst s3  }
0xc: {  	[smem:$0x3FB0] =	sst s4  }
0xd: {  	[smem:$0x3FB1] =	sst s5  }
0xe: {  	[smem:$0x3FB2] =	sst s6  }
0xf: {  	[smem:$0x3FB3] =	sst s7  }
0x10: {  	[smem:$0x3FB4] =	sst s8  }
0x11: {  	[smem:$0x3FB5] =	sst s9;
	s0 =	simm.s32 @!p0 $0x0  }
0x12: {  	s1 =	sld [smem:$0x3F9B];
	s0 =	simm.s32 @p0 $0x1  }
0x13: {  	[smem:$0x3FB6] =	sst s0;
	s0 =	simm.s32 @!p1 $0x0  }
0x14: {  	s2 =	sld [smem:$0x3F9A];
	s0 =	simm.s32 @p1 $0x1  }
0x15: {  	[smem:$0x3FB7] =	sst s0;
	s0 =	simm.s32 @!p2 $0x0  }
0x16: {  	s3 =	sld [smem:$0x3FDB];
	s0 =	simm.s32 @p2 $0x1  }
0x17: {  	s4 =	simm.s32 $0x1BF5;
	[smem:$0x3FB9] =	sst s0  }
0x18: {  	s0 =	sld [smem:$0x3F9C];
	_ =	swait.ge [sflag:s4], $0x0  }
0x19: {  	s7 =	sld [smem:$0x3F9D]  }
0x1a: {  	s8 =	sadd.s32 $0xFFFFE003, lr  }
0x1b: {  	s9 =	sadd.s32 $0xFFFFFEF7, lr;
	s5 =	simm.s32 $0xFFFFFFFF;
	p2 =	slt.u32 s8, $0xFFFFF086  }
0x1c: {  	p1 =	slt.u32 s9, $0xF7A;
	s5 =	simm.s32 @!p2 $0x0  }
0x1d: {  	s5 =	simm.s32 @p1 $0x1;
	p0 =	seq.s32 s7, s2  }
0x1e: {  	s7 =	smul.u32 @!p0 $0xF7A, s2;
	p2 =	seq.s32 @!p0 s5, $0x0  }
0x1f: {  	s9 =	smul.u32 $0xF7A, s1;
	s8 =	simm.s32 @!p0 $0x1BF5;
	p2 =	por !p2, p0  }
0x20: {  	[sflag:s8] =	ssyncset.s32 @!p0 $0xFFFFF086;
	s6 =	sadd.s32 @!p0 s3, s7;
	s7 =	simm.s32 @!p0 $0x108  }
0x21: {  	s3 =	sadd.s32 s3, s9;
	s6 =	sadd.s32 @!p0 $0x88, s6;
	s7 =	simm.s32 @p2 $0x1082  }
0x22: {  	[simem:s7], [sflag:s8] =	dma.local @!p0 [hbm:s6], $0xF7A  }
0x23: {  	s9 =	sor.u32 $0xD0000000, s2;
	s6 =	simm.s32 $0x108;
	_ =	swait.ge @!p0 [sflag:s8], $0x0  }
0x24: {  	s3 =	sadd.s32 $0x88, s3;
	s6 =	simm.s32 @!p1 $0x1082;
	[sflag:s4] =	ssyncset.s32 $0xFFFFF086  }
0x25: {  	[simem:s6], [sflag:s4] =	dma.local [hbm:s3], $0xF7A  }
0x26: {  	[smem:$0x3F9D] =	sst s1;
	(tag) =	ssettag s2;
	_ =	strace s9  }
0x27: {  	s1 =	sld [smem:$0x3FAD]  }
0x28: {  	s2 =	sld [smem:$0x3FAE]  }
0x29: {  	s4 =	sld [smem:$0x3FB0]  }
0x2a: {  	p0 =	seq.s32 s5, $0x0;
	s5 =	sld [smem:$0x3FB1]  }
0x2b: {  	s6 =	sld [smem:$0x3FB2]  }
0x2c: {  	s7 =	sld [smem:$0x3FB3]  }
0x2d: {  	s3 =	simm.s32 $0x108;
	s8 =	sld [smem:$0x3FB4]  }
0x2e: {  	s3 =	simm.s32 @!p0 $0x1082;
	s9 =	sld [smem:$0x3FB5]  }
0x2f: {  	lr =	sadd.s32 s0, s3;
	s0 =	sld [smem:$0x3FAC]  }
0x30: {  	s3 =	sld [smem:$0x3FAF]  }
0x31: {  	[smem:$0x3FB8] =	sst s10  }
0x32: {  	s10 =	sld [smem:$0x3FB6];
	_ =	sdelay $0x3  }
0x33: {  	p0 =	seq.s32 s10, $0x1;
	s10 =	sld [smem:$0x3FB8];
	_ =	sdelay $0x3  }
0x34: {  	[smem:$0x3FB8] =	sst s10  }
0x35: {  	s10 =	sld [smem:$0x3FB7];
	_ =	sdelay $0x3  }
0x36: {  	p1 =	seq.s32 s10, $0x1;
	s10 =	sld [smem:$0x3FB8];
	_ =	sdelay $0x3  }
0x37: {  	[smem:$0x3FB8] =	sst s10  }
0x38: {  	s10 =	sld [smem:$0x3FB9]  }
0x39: {  	_ = 	snop;
	(pc) =	sbr.ind lr, $3  }
0x3a: {  	_ = 	snop  }
0x3b: {  	_ = 	snop  }
0x3c: {  	p2 =	seq.s32 s10, $0x1;
	s10 =	sld [smem:$0x3FB8]  }
0x3d: {  	_ =	shalt  }
0x3e: {  	_ =	shalt  }
0x3f: {  	_ =	shalt  }
0x40: {  	_ =	shalt  }
0x41: {  	_ =	shalt  }
0x42: {  	_ =	shalt  }
0x43: {  	_ =	shalt  }
0x44: {  	_ =	shalt  }
0x45: {  	_ =	shalt  }
0x46: {  	_ =	shalt  }
0x47: {  	_ =	shalt  }
0x48: {  	_ =	shalt  }
0x49: {  	_ =	shalt  }
0x4a: {  	_ =	shalt  }
0x4b: {  	_ =	shalt  }
0x4c: {  	_ =	shalt  }
0x4d: {  	_ =	shalt  }
0x4e: {  	_ =	shalt  }
0x4f: {  	_ =	shalt  }
0x50: {  	_ =	shalt  }
0x51: {  	_ =	shalt  }
0x52: {  	_ =	shalt  }
0x53: {  	_ =	shalt  }
0x54: {  	_ =	shalt  }
0x55: {  	_ =	shalt  }
0x56: {  	_ =	shalt  }
0x57: {  	_ =	shalt  }
0x58: {  	_ =	shalt  }
0x59: {  	_ =	shalt  }
0x5a: {  	_ =	shalt  }
0x5b: {  	_ =	shalt  }
0x5c: {  	_ =	shalt  }
0x5d: {  	_ =	shalt  }
0x5e: {  	_ =	shalt  }
0x5f: {  	_ =	shalt  }
0x60: {  	_ =	shalt  }
0x61: {  	_ =	shalt  }
0x62: {  	_ =	shalt  }
0x63: {  	_ =	shalt  }
0x64: {  	_ =	shalt  }
0x65: {  	_ =	shalt  }
0x66: {  	_ =	shalt  }
0x67: {  	_ =	shalt  }
0x68: {  	_ =	shalt  }
0x69: {  	_ =	shalt  }
0x6a: {  	_ =	shalt  }
0x6b: {  	_ =	shalt  }
0x6c: {  	_ =	shalt  }
0x6d: {  	_ =	shalt  }
0x6e: {  	_ =	shalt  }
0x6f: {  	_ =	shalt  }
0x70: {  	_ =	shalt  }
0x71: {  	_ =	shalt  }
0x72: {  	_ =	shalt  }
0x73: {  	_ =	shalt  }
0x74: {  	_ =	shalt  }
0x75: {  	_ =	shalt  }
0x76: {  	_ =	shalt  }
0x77: {  	_ =	shalt  }
0x78: {  	_ =	shalt  }
0x79: {  	_ =	shalt  }
0x7a: {  	_ =	shalt  }
0x7b: {  	_ =	shalt  }
0x7c: {  	_ =	shalt  }
0x7d: {  	_ =	shalt  }
0x7e: {  	_ =	shalt  }
0x7f: {  	_ =	shalt  }
0x80: {  	_ =	shalt  }
0x81: {  	_ =	shalt  }
0x82: {  	_ =	shalt  }
0x83: {  	_ =	shalt  }
0x84: {  	_ =	shalt  }
0x85: {  	_ =	shalt  }
0x86: {  	_ =	shalt  }
0x87: {  	_ =	shalt  }
.Lfunc_end0:
.L_simem_size_0:
called_computation_lowered:
.L_overlay_start_0:
0x88: {  	s0 =	sld [smem:$0x3FD9]  }
0x89: {  	s1 =	sld [smem:$0x3FFE];
	_ =	sdelay $0x3  }
0x8a: {  	s0 =	sadd.s32 s1, s0  }
0x8b: {  	s5 =	simm.s32 $0x0;
	[smem:$0x3FC4] =	sst s0  }
0x8c: {  	[smem:$0xF] =	sst s5  }
0x8d: {  	s13 =	sld [smem:$0x3FC9]  }
0x8e: {  	s2 =	sld [smem:$0x3FC8]  }
0x8f: {  	s3 =	sld [smem:$0x3FC7]  }
0x90: {  	s4 =	sld [smem:$0x3FC6]  }
0x91: {  	s0 =	sld [smem:$0x3FD0];
	(tm) =	ssettm $0x1  }
0x92: {  	s14 =	sld [smem:$0x3FFB];
	_ =	sdelay $0x3  }
0x93: {  	_ =	strace s14  }
0x94: {  	s5 =	sld [smem:$0x3FFC];
	_ =	sdelay $0x3  }
0x95: {  	_ =	strace s5  }
0x96: {  	s5 =	sld [smem:$0x3FFD];
	_ =	sdelay $0x3  }
0x97: {  	_ =	strace s5  }
0x98: {  	s15 =	simm.s32 $0x1B8B;
	_ =	strace $0x8FFFFFFF  }
0x99: {  	_ =	swait.ge [sflag:s15], $0x1  }
0x9a: {  	s6 =	simm.s32 $0x1B8E;
	s17 =	simm.s32 $0x9;
	[sflag:s15] =	ssyncset.done $0x0  }
0x9b: {  	s7 =	simm.s32 $0x10;
	s16 =	sld [smem:$0x3FFE];
	[sflag:s15] =	ssyncadd.s32 $0xFFFFFFFF  }
0x9c: {  	s18 =	simm.s32 $0xA;
	s19 =	simm.s32 $0x90;
	[smem:$0x3FD2] =	sst s6  }
0x9d: {  	s20 =	simm.s32 $0xB;
	s21 =	simm.s32 $0x110;
	_ =	strace $0x80000046  }
0x9e: {  	[smem:s7], [sflag:s17] =	dma.local [hbm:s13], $0x10  }
0x9f: {  	s23 =	simm.s32 $0xC;
	s24 =	simm.s32 $0x190;
	s22 =	sadd.s32 $0x400, s16  }
0xa0: {  	[smem:s19], [sflag:s18] =	dma.local [hbm:s2], $0x10  }
0xa1: {  	[smem:s21], [sflag:s20] =	dma.local [hbm:s3], $0x10  }
0xa2: {  	[smem:s24], [sflag:s23] =	dma.local [hbm:s22], $0x10  }
0xa3: {  	_ =	swait.ge [sflag:s17], $0x10  }
0xa4: {  	[sflag:s17] =	ssyncset.done $0x0  }
0xa5: {  	[sflag:s17] =	ssyncadd.s32 $0xFFFFFFF0  }
0xa6: {  	s25 =	sld [smem:$0x10];
	_ =	sdelay $0x3  }
0xa7: {  	s2 =	sshll.u32 s25, $0x4  }
0xa8: {  	s2 =	sand.u32 $0x1FFFFFF0, s2  }
0xa9: {  	s26 =	simm.s32 $0x210;
	s2 =	sadd.s32 s4, s2  }
0xaa: {  	[smem:s26], [sflag:s17] =	dma.local [hbm:s2], $0x10  }
0xab: {  	_ =	swait.ge [sflag:s18], $0x10  }
0xac: {  	[sflag:s18] =	ssyncset.done $0x0  }
0xad: {  	[sflag:s18] =	ssyncadd.s32 $0xFFFFFFF0  }
0xae: {  	s28 =	sld [smem:$0x90];
	_ =	sdelay $0x3  }
0xaf: {  	s2 =	sshll.u32 s28, $0x4  }
0xb0: {  	s2 =	sand.u32 $0x1FFFFFF0, s2  }
0xb1: {  	s29 =	simm.s32 $0x290;
	s2 =	sadd.s32 s4, s2  }
0xb2: {  	[smem:s29], [sflag:s18] =	dma.local [hbm:s2], $0x10  }
0xb3: {  	_ =	swait.ge [sflag:s17], $0x10  }
0xb4: {  	[sflag:s17] =	ssyncset.done $0x0  }
0xb5: {  	[sflag:s17] =	ssyncadd.s32 $0xFFFFFFF0;
	_ =	sdelay $0x2  }
0xb6: {  	_ =	swait.ge [sflag:s18], $0x10  }
0xb7: {  	[sflag:s18] =	ssyncset.done $0x0  }
0xb8: {  	[sflag:s18] =	ssyncadd.s32 $0xFFFFFFF0  }
0xb9: {  	s9 =	sld [smem:$0x211]  }
0xba: {  	s12 =	sld [smem:$0x291]  }
0xbb: {  	s10 =	sld [smem:$0x213]  }
0xbc: {  	s14 =	sld [smem:$0x293]  }
0xbd: {  	s2 =	sld [smem:$0x215]  }
0xbe: {  	s4 =	sld [smem:$0x295]  }
0xbf: {  	s3 =	sld [smem:$0x217]  }
0xc0: {  	s5 =	sld [smem:$0x297]  }
0xc1: {  	s30 =	sld [smem:$0x210]  }
0xc2: {  	s31 =	sld [smem:$0x290]  }
0xc3: {  	s19 =	sld [smem:$0x212]  }
0xc4: {  	s8 =	simm.f32 $0.0e+00;
	s11 =	simm.s32 $0x20;
	s20 =	sld [smem:$0x292]  }
0xc5: {  	s1 =	srdreg.scid;
	s15 =	simm.s32 $0x0;
	s16 =	sld [smem:$0x214]  }
0xc6: {  	s6 =	simm.f32 $0.0e+00;
	s13 =	simm.f32 $0.0e+00;
	s17 =	sld [smem:$0x294]  }
0xc7: {  	s7 =	simm.f32 $0.0e+00;
	s21 =	smul.f32 s31, s30;
	s18 =	sld [smem:$0x216]  }
.LBB1_1:
0xc8: {  	p0 =	sne.s32 s11, $0x1E0;
	s19 =	smul.f32 s20, s19;
	s15 =	sld [smem:s15+$0x296]  }
0xc9: {  	s9 =	smul.f32 s12, s9;
	s8 =	sadd.f32 s21, s8  }
0xca: {  	s10 =	smul.f32 s14, s10;
	s12 =	sadd.f32 s19, s13  }
0xcb: {  	s8 =	sadd.f32 s9, s8;
	s9 =	smul.f32 s17, s16  }
0xcc: {  	s13 =	sadd.f32 s10, s12;
	s10 =	smul.f32 s15, s18  }
0xcd: {  	s2 =	smul.f32 s4, s2;
	s7 =	sadd.f32 s9, s7  }
0xce: {  	s3 =	smul.f32 s5, s3;
	s4 =	sadd.f32 s10, s6  }
0xcf: {  	s7 =	sadd.f32 s2, s7  }
0xd0: {  	s15 =	sshra.s32 s11, $0x2;
	s6 =	sadd.f32 s3, s4  }
0xd1: {  	s9 =	sld [smem:s15+$0x211]  }
0xd2: {  	s12 =	sld [smem:s15+$0x291]  }
0xd3: {  	s10 =	sld [smem:s15+$0x213]  }
0xd4: {  	s14 =	sld [smem:s15+$0x293]  }
0xd5: {  	s2 =	sld [smem:s15+$0x215]  }
0xd6: {  	s4 =	sld [smem:s15+$0x295]  }
0xd7: {  	s3 =	sld [smem:s15+$0x217]  }
0xd8: {  	s5 =	sld [smem:s15+$0x297]  }
0xd9: {  	s18 =	sld [smem:s15+$0x210]  }
0xda: {  	s21 =	sld [smem:s15+$0x290]  }
0xdb: {  	s19 =	sld [smem:s15+$0x212]  }
.Ltmp0:
0xdc: {  	s20 =	sld [smem:s15+$0x292];
	(pc) =	sbr.rel @p0 .LBB1_1-.Ltmp0, $3  }
0xdd: {  	s16 =	sld [smem:s15+$0x214]  }
0xde: {  	s17 =	sld [smem:s15+$0x294]  }
0xdf: {  	s11 =	sadd.s32 $0x20, s11;
	s21 =	smul.f32 s21, s18;
	s18 =	sld [smem:s15+$0x216]  }
0xe0: {  	s11 =	smul.f32 s20, s19  }
0xe1: {  	s15 =	sld [smem:s15+$0x296];
	s9 =	smul.f32 s12, s9  }
0xe2: {  	s10 =	smul.f32 s14, s10;
	s8 =	sadd.f32 s21, s8  }
0xe3: {  	s11 =	sadd.f32 s11, s13;
	s14 =	smul.f32 s17, s16;
	s16 =	simm.s32 $0xB  }
0xe4: {  	s8 =	sadd.f32 s9, s8;
	_ =	swait.ge [sflag:s16], $0x10  }
0xe5: {  	s10 =	sadd.f32 s10, s11;
	s15 =	smul.f32 s15, s18;
	[sflag:s16] =	ssyncset.done $0x0  }
0xe6: {  	s2 =	smul.f32 s4, s2;
	s7 =	sadd.f32 s14, s7;
	[sflag:s16] =	ssyncadd.s32 $0xFFFFFFF0  }
0xe7: {  	s3 =	smul.f32 s5, s3;
	s17 =	sadd.f32 s15, s6  }
0xe8: {  	s18 =	simm.s32 $0xC;
	s2 =	sadd.f32 s2, s7  }
0xe9: {  	s3 =	sadd.f32 s3, s17;
	_ =	swait.ge [sflag:s18], $0x10  }
0xea: {  	s19 =	sadd.f32 s10, s8;
	[sflag:s18] =	ssyncset.done $0x0  }
0xeb: {  	s2 =	sadd.f32 s3, s2;
	[sflag:s18] =	ssyncadd.s32 $0xFFFFFFF0  }
0xec: {  	s20 =	sld [smem:$0x110];
	_ =	sdelay $0x1  }
0xed: {  	s2 =	sadd.f32 s2, s19;
	_ =	sdelay $0x1  }
0xee: {  	s2 =	smul.f32 s20, s2;
	_ =	sdelay $0x1  }
0xef: {  	s3 =	ssub.f32 $0.0e+00, s2;
	_ =	sdelay $0x1  }
0xf0: {  	s3 =	smax.f32 s2, s3  }
0xf1: {  	s3 =	smin.f32 s3, $8.000000000e+01  }
0xf2: {  	s3 =	smul.f32 $1.442695020e+00, s3;
	_ =	sdelay $0x1  }
0xf3: {  	s4 =	scvt.f32.s32 s3;
	_ =	sdelay $0x1  }
0xf4: {  	p0 =	slt.s32 s4, $0x78  }
0xf5: {  	s4 =	simm.s32 @!p0 $0x78  }
0xf6: {  	s21 =	scvt.s32.f32 s4;
	_ =	sdelay $0x1  }
0xf7: {  	s3 =	ssub.f32 s3, s21;
	_ =	sdelay $0x1  }
0xf8: {  	s5 =	smul.f32 $1.093875840e-04, s3;
	_ =	sdelay $0x1  }
0xf9: {  	s5 =	sadd.f32 $-1.275717050e-03, s5;
	_ =	sdelay $0x1  }
0xfa: {  	s5 =	smul.f32 s5, s3;
	_ =	sdelay $0x1  }
0xfb: {  	s5 =	sadd.f32 $9.580059910e-03, s5;
	_ =	sdelay $0x1  }
0xfc: {  	s5 =	smul.f32 s5, s3;
	_ =	sdelay $0x1  }
0xfd: {  	s5 =	sadd.f32 $-5.549103770e-02, s5;
	_ =	sdelay $0x1  }
0xfe: {  	s5 =	smul.f32 s5, s3;
	_ =	sdelay $0x1  }
0xff: {  	s5 =	sadd.f32 $2.402243610e-01, s5;
	_ =	sdelay $0x1  }
0x100: {  	s5 =	smul.f32 s5, s3;
	_ =	sdelay $0x1  }
0x101: {  	s5 =	sadd.f32 $-6.931470630e-01, s5;
	_ =	sdelay $0x1  }
0x102: {  	s4 =	sld [smem:s4+$0x190];
	s3 =	smul.f32 s5, s3  }
0x103: {  	_ = 	snop  }
0x104: {  	s3 =	sadd.f32 $1.000000000e+00, s3;
	_ =	sdelay $0x1  }
0x105: {  	s3 =	smul.f32 s3, s4;
	_ =	sdelay $0x1  }
0x106: {  	s4 =	sadd.f32 $2.000000000e+00, s3;
	_ =	sdelay $0x1  }
0x107: {  	s22 =	smul.f32 $-1.176470590e-01, s4;
	_ =	sdelay $0x1  }
0x108: {  	s5 =	sadd.f32 $7.058823700e-01, s22;
	_ =	sdelay $0x1  }
0x109: {  	s23 =	smul.f32 s5, s4;
	_ =	sdelay $0x1  }
0x10a: {  	s6 =	ssub.f32 $2.000000000e+00, s23;
	_ =	sdelay $0x1  }
0x10b: {  	s5 =	smul.f32 s6, s5;
	_ =	sdelay $0x1  }
0x10c: {  	s6 =	smul.f32 s5, s4;
	_ =	sdelay $0x1  }
0x10d: {  	s6 =	ssub.f32 $2.000000000e+00, s6;
	_ =	sdelay $0x1  }
0x10e: {  	s5 =	smul.f32 s6, s5;
	_ =	sdelay $0x1  }
0x10f: {  	s4 =	smul.f32 s5, s4;
	_ =	sdelay $0x1  }
0x110: {  	s4 =	ssub.f32 $2.000000000e+00, s4;
	_ =	sdelay $0x1  }
0x111: {  	s4 =	smul.f32 s4, s5;
	_ =	sdelay $0x1  }
0x112: {  	s3 =	smul.f32 s4, s3;
	_ =	sdelay $0x1  }
0x113: {  	s4 =	smul.f32 s3, s3;
	_ =	sdelay $0x1  }
0x114: {  	s24 =	smul.f32 $1.111111120e-01, s4;
	_ =	sdelay $0x1  }
0x115: {  	s5 =	sadd.f32 $1.428571490e-01, s24;
	_ =	sdelay $0x1  }
0x116: {  	s5 =	smul.f32 s5, s4;
	_ =	sdelay $0x1  }
0x117: {  	s5 =	sadd.f32 $2.000000030e-01, s5;
	_ =	sdelay $0x1  }
0x118: {  	s5 =	smul.f32 s5, s4;
	_ =	sdelay $0x1  }
0x119: {  	s5 =	sadd.f32 $3.333333430e-01, s5;
	_ =	sdelay $0x1  }
0x11a: {  	s4 =	smul.f32 s5, s4  }
0x11b: {  	s3 =	sadd.f32 s3, s3  }
0x11c: {  	s4 =	sadd.f32 $1.000000000e+00, s4;
	_ =	sdelay $0x1  }
0x11d: {  	s3 =	smul.f32 s4, s3  }
0x11e: {  	s2 =	smin.f32 s2, $0.0e+00  }
0x11f: {  	s2 =	ssub.f32 s2, s3;
	_ =	sdelay $0x1  }
0x120: {  	s25 =	simm.s32 $0x310;
	s26 =	simm.s32 $0xD;
	[smem:$0x310] =	sst s2  }
0x121: {  	[hbm:s0], [sflag:s26] =	dma.local [smem:s25], $0x10  }
0x122: {  	_ =	swait.ge [sflag:s26], $0x10  }
0x123: {  	[sflag:s26] =	ssyncset.done $0x0  }
0x124: {  	[sflag:s26] =	ssyncadd.s32 $0xFFFFFFF0  }
0x125: {  	_ =	strace $0x90000046  }
0x126: {  	_ =	sfence  }
0x127: {  	s28 =	sld [smem:$0x0];
	_ =	sdelay $0x2  }
0x128: {  	s29 =	sshll.u32 s1, $0xD;
	s30 =	sshrl.u32 s1, $0x2  }
0x129: {  	s31 =	sand.u32 $0x1, s1;
	s2 =	sand.u32 $0x4000, s29;
	s0 =	sadd.s32 s30, s28  }
0x12a: {  	s1 =	sor.u32 s2, s31;
	s0 =	sshll.u32 s0, $0x11  }
0x12b: {  	s0 =	sor.u32 s0, s1  }
0x12c: {  	s0 =	sadd.s32 $0x8F2B, s0;
	(pc) =	sbr.abs _section_cstart, $3  }
0x12d: {  	[sflag:s0] =	ssyncadd.remote.s32 $0x1  }
0x12e: {  	_ =	strace $0x9FFFFFFF  }
0x12f: {  	(tm) =	ssettm $0x7FFFFFFF  }

</sc_bundles>
